<compile_context>
chip_gen: v7x
topology: tpu7x:2x2x1
jax: 0.10.2.dev20260603
libtpu: 0.0.44.dev20260713+nightly
codegen_flags: <defaults>
</compile_context>

<pallas_src>
import functools

import jax
import jax.numpy as jnp
from jax import lax
from jax.experimental import pallas as pl
from jax.experimental.pallas import tpu as pltpu
from jax.experimental.pallas import tpu_sc as plsc

_R = 0.3
_TOP_K = 2

_NC = 2
_NS = 16
_NW = _NC * _NS
_L = 16


def _pool_linear_block(x_ref, w_ref, b_ref, scores_ref):
    xb = x_ref[...]
    s = xb.shape[1]
    avg = jnp.sum(xb, axis=1) * (1.0 / s)
    mx = jnp.max(xb, axis=1)
    feat = avg * (1.0 - _R) + mx * _R
    scores_ref[...] = lax.dot_general(
        feat, w_ref[...],
        dimension_numbers=(((1,), (1,)), ((), ())),
        preferred_element_type=jnp.float32,
    ) + b_ref[...]


def _make_sc_gate(B, E):
    rows_per_w = B // _NW
    mesh = plsc.VectorSubcoreMesh(core_axis_name="c", subcore_axis_name="s")

    def shuffle(v, perm):
        return lax.gather(
            v,
            perm[:, None],
            lax.GatherDimensionNumbers(
                offset_dims=(), collapsed_slice_dims=(0,),
                start_index_map=(0,)),
            slice_sizes=(1,),
            mode=lax.GatherScatterMode.PROMISE_IN_BOUNDS,
        )

    def butterfly_argmax(s, iota):
        m, a = s, iota
        for d in (1, 2, 4, 8):
            perm = jnp.bitwise_xor(iota, d)
            pm = shuffle(m, perm)
            pa = shuffle(a, perm)
            take = (pm > m) | ((pm == m) & (pa < a))
            m = jnp.where(take, pm, m)
            a = jnp.where(take, pa, a)
        return m, a

    @functools.partial(
        pl.kernel,
        mesh=mesh,
        out_type=[
            jax.ShapeDtypeStruct((B, E), jnp.float32),
            jax.ShapeDtypeStruct((B * _TOP_K,), jnp.int32),
        ],
        scratch_types=[
            pltpu.VMEM((rows_per_w, E), jnp.float32),
            pltpu.VMEM((rows_per_w, E), jnp.float32),
            pltpu.VMEM((_L,), jnp.int32),
        ],
    )
    def gate(scores_hbm, probs_hbm, idx_hbm, sc_v, pr_v, ix_v):
        wid = lax.axis_index("s") * _NC + lax.axis_index("c")
        base = wid * rows_per_w
        izero = jnp.zeros((_L,), jnp.int32)
        for r in range(rows_per_w):
            pr_v[r] = jnp.zeros((_L,), jnp.float32)
        ix_v[...] = izero
        pltpu.sync_copy(pr_v, probs_hbm.at[pl.ds(base, rows_per_w)])
        pltpu.sync_copy(
            ix_v.at[pl.ds(0, rows_per_w * _TOP_K)],
            idx_hbm.at[pl.ds(base * _TOP_K, rows_per_w * _TOP_K)],
        )

    return gate


def kernel(x, W, b):
    B, D, H, Wsp = x.shape
    E = W.shape[0]
    S = H * Wsp
    xt = jnp.transpose(x, (0, 2, 3, 1)).reshape(B, S, D)
    b2 = b.reshape(1, E)

    BBLK = 16
    scores = pl.pallas_call(
        _pool_linear_block,
        grid=(B // BBLK,),
        in_specs=[
            pl.BlockSpec((BBLK, S, D), lambda i: (i, 0, 0)),
            pl.BlockSpec((E, D), lambda i: (0, 0)),
            pl.BlockSpec((1, E), lambda i: (0, 0)),
        ],
        out_specs=pl.BlockSpec((BBLK, E), lambda i: (i, 0)),
        out_shape=jax.ShapeDtypeStruct((B, E), jnp.float32),
    )(xt, W, b2)

    probs, idx_flat = _make_sc_gate(B, E)(scores)
    return (probs, idx_flat.reshape(B, _TOP_K))

# --- scband reference (transcript-rebuilt; emitter-appended) ---
"""Pipeline reference for scband-gate-router-32925219291180 (READ-ONLY COPY).

The authoritative reference and input builder live on the scoring server;
editing this copy changes nothing except your own understanding.
"""

import jax, jax.numpy as jnp
import numpy as np


def setup_inputs(seed: int = 0) -> dict:
    key = jax.random.key(seed)
    k1, k2, k3 = jax.random.split(key, 3)
    x = jax.random.normal(k1, (128, 384, 24, 24), dtype=jnp.float32)
    W = jax.random.normal(k2, (16, 384), dtype=jnp.float32) * 0.05
    b = jax.random.normal(k3, (16,), dtype=jnp.float32) * 0.05
    return {"x": x, "W": W, "b": b}


def reference(x, W, b):
    r = 0.3
    top_k = 2
    # AdaptiveAvgPool2d(1) / AdaptiveMaxPool2d(1) over spatial dims
    avg_x = jnp.mean(x, axis=(2, 3))
    max_x = jnp.max(x, axis=(2, 3))
    feat = avg_x * (1.0 - r) + max_x * r  # [B, dim]
    experts_scores = feat @ W.T + b       # [B, num_experts]
    top_k_logits, indices = jax.lax.top_k(experts_scores, top_k)
    B = experts_scores.shape[0]
    rows = jnp.arange(B)[:, None]
    sparse_logits = jnp.full_like(experts_scores, -jnp.inf).at[rows, indices].set(top_k_logits)
    probs = jax.nn.softmax(sparse_logits, axis=1)
    return (probs, indices)

if __name__ == "__main__":
    import jax
    _d = setup_inputs()
    print(jax.jit(kernel)(*tuple(_d.values())))

</pallas_src>

<mosaic_0001>
#map = affine_map<(d0, d1) -> (0, 0)>
#map1 = affine_map<(d0, d1) -> (0)>
module attributes {stable_mosaic.version = 14 : i64} {
  func.func @gate(%arg0: i32, %arg1: i32, %arg2: memref<128x16xf32, #tpu.memory_space<hbm>>, %arg3: memref<128x16xf32, #tpu.memory_space<hbm>>, %arg4: memref<256xi32, #tpu.memory_space<hbm>>, %arg5: memref<4x16xf32, #tpu.memory_space<vmem>>, %arg6: memref<4x16xf32, #tpu.memory_space<vmem>>, %arg7: memref<16xi32, #tpu.memory_space<vmem>>) attributes {dimension_semantics = [#tpu.dimension_semantics<core_parallel>, #tpu.dimension_semantics<subcore_parallel>], iteration_bounds = array<i64: 2, 16>, scalar_prefetch = 0 : i64, scratch_operands = 3 : i64, tpu.core_type = #tpu.core_type<sc_vector_subcore>, window_params = [{transform_indices = #map}, {transform_indices = #map}, {transform_indices = #map1}]} {
    %mul3A = arith.constant 2 : i32
    %mul3A_0 = arith.muli %arg1, %mul3A : i32
    %add3A = arith.addi %mul3A_0, %arg0 : i32
    %mul3A_1 = arith.constant 4 : i32
    %mul3A_2 = arith.muli %add3A, %mul3A_1 : i32
    %broadcast_in_dim3A = arith.constant 0 : i32
    %broadcast_in_dim3A_3 = vector.broadcast %broadcast_in_dim3A : i32 to vector<16xi32>
    %broadcast_in_dim3A_4 = arith.constant 0.000000e+00 : f32
    %broadcast_in_dim3A_5 = vector.broadcast %broadcast_in_dim3A_4 : f32 to vector<16xf32>
    %swap3A = arith.constant 0 : i32
    %swap3A_6 = arith.index_cast %swap3A : i32 to index
    %swap3A_7 = arith.constant 0 : index
    %swap3A_8 = tpu.vector_load %arg6[%swap3A_6, %swap3A_7] {strides = array<i32>} : memref<4x16xf32, #tpu.memory_space<vmem>>, vector<1x16xf32>,
    %swap3A_9 = vector.shape_cast %swap3A_8 : vector<1x16xf32> to vector<16xf32>
    %swap3A_10 = vector.shape_cast %broadcast_in_dim3A_5 : vector<16xf32> to vector<1x16xf32>
    tpu.vector_store %arg6[%swap3A_6, %swap3A_7], %swap3A_10 {strides = array<i32>} : memref<4x16xf32, #tpu.memory_space<vmem>>, vector<1x16xf32>,
    %broadcast_in_dim3A_11 = arith.constant 0.000000e+00 : f32
    %broadcast_in_dim3A_12 = vector.broadcast %broadcast_in_dim3A_11 : f32 to vector<16xf32>
    %swap3A_13 = arith.constant 1 : i32
    %swap3A_14 = arith.index_cast %swap3A_13 : i32 to index
    %swap3A_15 = arith.constant 0 : index
    %swap3A_16 = tpu.vector_load %arg6[%swap3A_14, %swap3A_15] {strides = array<i32>} : memref<4x16xf32, #tpu.memory_space<vmem>>, vector<1x16xf32>,
    %swap3A_17 = vector.shape_cast %swap3A_16 : vector<1x16xf32> to vector<16xf32>
    %swap3A_18 = vector.shape_cast %broadcast_in_dim3A_12 : vector<16xf32> to vector<1x16xf32>
    tpu.vector_store %arg6[%swap3A_14, %swap3A_15], %swap3A_18 {strides = array<i32>} : memref<4x16xf32, #tpu.memory_space<vmem>>, vector<1x16xf32>,
    %broadcast_in_dim3A_19 = arith.constant 0.000000e+00 : f32
    %broadcast_in_dim3A_20 = vector.broadcast %broadcast_in_dim3A_19 : f32 to vector<16xf32>
    %swap3A_21 = arith.constant 2 : i32
    %swap3A_22 = arith.index_cast %swap3A_21 : i32 to index
    %swap3A_23 = arith.constant 0 : index
    %swap3A_24 = tpu.vector_load %arg6[%swap3A_22, %swap3A_23] {strides = array<i32>} : memref<4x16xf32, #tpu.memory_space<vmem>>, vector<1x16xf32>,
    %swap3A_25 = vector.shape_cast %swap3A_24 : vector<1x16xf32> to vector<16xf32>
    %swap3A_26 = vector.shape_cast %broadcast_in_dim3A_20 : vector<16xf32> to vector<1x16xf32>
    tpu.vector_store %arg6[%swap3A_22, %swap3A_23], %swap3A_26 {strides = array<i32>} : memref<4x16xf32, #tpu.memory_space<vmem>>, vector<1x16xf32>,
    %broadcast_in_dim3A_27 = arith.constant 0.000000e+00 : f32
    %broadcast_in_dim3A_28 = vector.broadcast %broadcast_in_dim3A_27 : f32 to vector<16xf32>
    %swap3A_29 = arith.constant 3 : i32
    %swap3A_30 = arith.index_cast %swap3A_29 : i32 to index
    %swap3A_31 = arith.constant 0 : index
    %swap3A_32 = tpu.vector_load %arg6[%swap3A_30, %swap3A_31] {strides = array<i32>} : memref<4x16xf32, #tpu.memory_space<vmem>>, vector<1x16xf32>,
    %swap3A_33 = vector.shape_cast %swap3A_32 : vector<1x16xf32> to vector<16xf32>
    %swap3A_34 = vector.shape_cast %broadcast_in_dim3A_28 : vector<16xf32> to vector<1x16xf32>
    tpu.vector_store %arg6[%swap3A_30, %swap3A_31], %swap3A_34 {strides = array<i32>} : memref<4x16xf32, #tpu.memory_space<vmem>>, vector<1x16xf32>,
    %swap3A_35 = arith.constant 0 : index
    %swap3A_36 = tpu.vector_load %arg7[%swap3A_35] {strides = array<i32>} : memref<16xi32, #tpu.memory_space<vmem>>, vector<16xi32>,
    %swap3A_37 = vector.shape_cast %swap3A_36 : vector<16xi32> to vector<16xi32>
    %swap3A_38 = vector.shape_cast %broadcast_in_dim3A_3 : vector<16xi32> to vector<16xi32>
    tpu.vector_store %arg7[%swap3A_35], %swap3A_38 {strides = array<i32>} : memref<16xi32, #tpu.memory_space<vmem>>, vector<16xi32>,
    "tpu.region"() ({
      %run_scoped3A = tpu.sem_alloc : memref<!tpu.dma_semaphore, #tpu.memory_space<semaphore_mem>>
      %dma_start3A = arith.constant 0 : i32
      %dma_start3A_41 = tpu.memref_slice %arg3[%mul3A_2, %dma_start3A] : memref<128x16xf32, #tpu.memory_space<hbm>> -> memref<4x16xf32, #tpu.memory_space<hbm>>
      %dma_start3A_42 = arith.constant 0 : i32
      %dma_start3A_43 = tpu.memref_slice %arg3[%mul3A_2, %dma_start3A_42] : memref<128x16xf32, #tpu.memory_space<hbm>> -> memref<4x16xf32, #tpu.memory_space<hbm>>
      tpu.enqueue_dma source(%arg6 : memref<4x16xf32, #tpu.memory_space<vmem>>) target(%dma_start3A_43 : memref<4x16xf32, #tpu.memory_space<hbm>>) target_semaphore(%run_scoped3A : memref<!tpu.dma_semaphore, #tpu.memory_space<semaphore_mem>>)
      %dma_wait3A = arith.constant 0 : i32
      %dma_wait3A_44 = tpu.memref_slice %arg3[%mul3A_2, %dma_wait3A] : memref<128x16xf32, #tpu.memory_space<hbm>> -> memref<4x16xf32, #tpu.memory_space<hbm>>
      %dma_wait3A_45 = arith.constant 0 : i32
      %dma_wait3A_46 = tpu.memref_slice %arg3[%mul3A_2, %dma_wait3A_45] : memref<128x16xf32, #tpu.memory_space<hbm>> -> memref<4x16xf32, #tpu.memory_space<hbm>>
      tpu.wait_dma2 semaphore(%run_scoped3A : memref<!tpu.dma_semaphore, #tpu.memory_space<semaphore_mem>>) src(%arg6 : memref<4x16xf32, #tpu.memory_space<vmem>>) dst(%dma_wait3A_46 : memref<4x16xf32, #tpu.memory_space<hbm>>)
      tpu.yield
    }) : () -> ()
    %mul3A_39 = arith.constant 2 : i32
    %mul3A_40 = arith.muli %mul3A_2, %mul3A_39 : i32
    "tpu.region"() ({
      %run_scoped3A = tpu.sem_alloc : memref<!tpu.dma_semaphore, #tpu.memory_space<semaphore_mem>>
      %dma_start3A = arith.constant 0 : i32
      %dma_start3A_41 = tpu.memref_slice %arg7[%dma_start3A] : memref<16xi32, #tpu.memory_space<vmem>> -> memref<8xi32, #tpu.memory_space<vmem>>
      %dma_start3A_42 = tpu.memref_slice %arg4[%mul3A_40] : memref<256xi32, #tpu.memory_space<hbm>> -> memref<8xi32, #tpu.memory_space<hbm>>
      %dma_start3A_43 = tpu.memref_slice %arg4[%mul3A_40] : memref<256xi32, #tpu.memory_space<hbm>> -> memref<8xi32, #tpu.memory_space<hbm>>
      %dma_start3A_44 = arith.constant 0 : i32
      %dma_start3A_45 = tpu.memref_slice %arg7[%dma_start3A_44] : memref<16xi32, #tpu.memory_space<vmem>> -> memref<8xi32, #tpu.memory_space<vmem>>
      tpu.enqueue_dma source(%dma_start3A_45 : memref<8xi32, #tpu.memory_space<vmem>>) target(%dma_start3A_43 : memref<8xi32, #tpu.memory_space<hbm>>) target_semaphore(%run_scoped3A : memref<!tpu.dma_semaphore, #tpu.memory_space<semaphore_mem>>)
      %dma_wait3A = arith.constant 0 : i32
      %dma_wait3A_46 = tpu.memref_slice %arg7[%dma_wait3A] : memref<16xi32, #tpu.memory_space<vmem>> -> memref<8xi32, #tpu.memory_space<vmem>>
      %dma_wait3A_47 = tpu.memref_slice %arg4[%mul3A_40] : memref<256xi32, #tpu.memory_space<hbm>> -> memref<8xi32, #tpu.memory_space<hbm>>
      %dma_wait3A_48 = tpu.memref_slice %arg4[%mul3A_40] : memref<256xi32, #tpu.memory_space<hbm>> -> memref<8xi32, #tpu.memory_space<hbm>>
      %dma_wait3A_49 = arith.constant 0 : i32
      %dma_wait3A_50 = tpu.memref_slice %arg7[%dma_wait3A_49] : memref<16xi32, #tpu.memory_space<vmem>> -> memref<8xi32, #tpu.memory_space<vmem>>
      tpu.wait_dma2 semaphore(%run_scoped3A : memref<!tpu.dma_semaphore, #tpu.memory_space<semaphore_mem>>) src(%dma_wait3A_50 : memref<8xi32, #tpu.memory_space<vmem>>) dst(%dma_wait3A_48 : memref<8xi32, #tpu.memory_space<hbm>>)
      tpu.yield
    }) : () -> ()
    return
  }
}

module attributes {stable_mosaic.version = 14 : i64} {
  func.func @_pool_linear_block(%arg0: i32, %arg1: memref<16x576x384xf32, #tpu.memory_space<vmem>>, %arg2: memref<16x384xf32, #tpu.memory_space<vmem>>, %arg3: memref<1x16xf32, #tpu.memory_space<vmem>>, %arg4: memref<16x16xf32, #tpu.memory_space<vmem>>) attributes {dimension_semantics = [#tpu.dimension_semantics<arbitrary>], iteration_bounds = array<i64: 8>, scalar_prefetch = 0 : i64, scratch_operands = 0 : i64, tpu.core_type = #tpu.core_type<tc>, window_params = [{transform_indices = @transform_0, window_bounds = array<i64: 16, 576, 384>}, {pipeline_mode = #tpu.pipeline_mode<synchronous>, transform_indices = @transform_1, window_bounds = array<i64: 16, 384>}, {pipeline_mode = #tpu.pipeline_mode<synchronous>, transform_indices = @transform_2, window_bounds = array<i64: 1, 16>}, {transform_indices = @transform_3, window_bounds = array<i64: 16, 16>}]} {
    %get3A = arith.constant 0 : index
    %get3A_0 = arith.constant 0 : index
    %get3A_1 = arith.constant 0 : index
    %get3A_2 = vector.load %arg1[%get3A, %get3A_0, %get3A_1] : memref<16x576x384xf32, #tpu.memory_space<vmem>>, vector<16x576x384xf32>
    %reduce_sum3A = arith.constant dense<0.000000e+00> : vector<16x384xf32>
    %reduce_sum3A_3 = vector.multi_reduction <add>, %get3A_2, %reduce_sum3A [1] : vector<16x576x384xf32> to vector<16x384xf32>
    %mul3A = arith.constant 0.00173611112 : f32
    %mul3A_4 = vector.broadcast %mul3A : f32 to vector<16x384xf32>
    %mul3A_5 = arith.mulf %reduce_sum3A_3, %mul3A_4 : vector<16x384xf32>
    %reduce_max3A = arith.constant dense<0xFF800000> : vector<16x384xf32>
    %reduce_max3A_6 = vector.multi_reduction <maximumf>, %get3A_2, %reduce_max3A [1] : vector<16x576x384xf32> to vector<16x384xf32>
    %mul3A_7 = arith.constant 0.699999988 : f32
    %mul3A_8 = vector.broadcast %mul3A_7 : f32 to vector<16x384xf32>
    %mul3A_9 = arith.mulf %mul3A_5, %mul3A_8 : vector<16x384xf32>
    %mul3A_10 = arith.constant 3.000000e-01 : f32
    %mul3A_11 = vector.broadcast %mul3A_10 : f32 to vector<16x384xf32>
    %mul3A_12 = arith.mulf %reduce_max3A_6, %mul3A_11 : vector<16x384xf32>
    %add3A = arith.addf %mul3A_9, %mul3A_12 : vector<16x384xf32>
    %get3A_13 = arith.constant 0 : index
    %get3A_14 = arith.constant 0 : index
    %get3A_15 = vector.load %arg2[%get3A_13, %get3A_14] : memref<16x384xf32, #tpu.memory_space<vmem>>, vector<16x384xf32>
    %dot_general3A = arith.constant dense<0.000000e+00> : vector<16x16xf32>
    %dot_general3A_16 = tpu.matmul %add3A, %get3A_15, %dot_general3A {dimension_numbers = #tpu.dot_dimension_numbers<[1], [1], [0], [0], [0, 0, 1, 0], [], []>, transpose_lhs_hint = false} : vector<16x384xf32>, vector<16x384xf32>, vector<16x16xf32> -> vector<16x16xf32>
    %get3A_17 = arith.constant 0 : index
    %get3A_18 = arith.constant 0 : index
    %get3A_19 = vector.load %arg3[%get3A_17, %get3A_18] : memref<1x16xf32, #tpu.memory_space<vmem>>, vector<1x16xf32>
    %add3A_20 = vector.broadcast %get3A_19 : vector<1x16xf32> to vector<16x16xf32>
    %add3A_21 = arith.addf %dot_general3A_16, %add3A_20 : vector<16x16xf32>
    %swap3A = arith.constant 0 : index
    %swap3A_22 = arith.constant 0 : index
    %swap3A_23 = vector.load %arg4[%swap3A, %swap3A_22] : memref<16x16xf32, #tpu.memory_space<vmem>>, vector<16x16xf32>
    tpu.vector_store %arg4[%swap3A, %swap3A_22], %add3A_21 {strides = array<i32>} : memref<16x16xf32, #tpu.memory_space<vmem>>, vector<16x16xf32>,
    return
  }
  func.func @transform_0(%arg0: i32) -> (i32, i32, i32) {
    %c0_i32 = arith.constant 0 : i32
    %c0_i32_0 = arith.constant 0 : i32
    %c0_i32_1 = arith.constant 0 : i32
    return %arg0, %c0_i32, %c0_i32_0 : i32, i32, i32
  }
  func.func @transform_1(%arg0: i32) -> (i32, i32) {
    %c0_i32 = arith.constant 0 : i32
    %c0_i32_0 = arith.constant 0 : i32
    %c0_i32_1 = arith.constant 0 : i32
    return %c0_i32, %c0_i32_0 : i32, i32
  }
  func.func @transform_2(%arg0: i32) -> (i32, i32) {
    %c0_i32 = arith.constant 0 : i32
    %c0_i32_0 = arith.constant 0 : i32
    %c0_i32_1 = arith.constant 0 : i32
    return %c0_i32, %c0_i32_0 : i32, i32
  }
  func.func @transform_3(%arg0: i32) -> (i32, i32) {
    %c0_i32 = arith.constant 0 : i32
    %c0_i32_0 = arith.constant 0 : i32
    return %arg0, %c0_i32 : i32, i32
  }
}

</mosaic_0001>

<sc_bundles>
// kernel: kernel.4.cloned.1.call-start
scs
__scs_entry_jumppad:
0x0: {  	(pc) =	sbr.rel $0x88, $3  }
0x1: {  	(tag) =	ssettag $0x0;
	lr =	simm.s32 $0x1  }
0x2: {  	[smem:$0x3F9E] =	sst lr;
	_ =	strace $0xD0000000  }
0x3: {  	_ = 	snop  }
0x4: {  	_ = 	snop  }
0x5: {  	_ = 	snop  }
0x6: {  	_ = 	snop  }
0x7: {  	_ = 	snop  }
__scs_overlays_trampoline_lowered:
0x8: {  	[smem:$0x3FAD] =	sst s0  }
0x9: {  	[smem:$0x3FAE] =	sst s1  }
0xa: {  	[smem:$0x3FAF] =	sst s2  }
0xb: {  	[smem:$0x3FB0] =	sst s3  }
0xc: {  	[smem:$0x3FB1] =	sst s4  }
0xd: {  	[smem:$0x3FB2] =	sst s5  }
0xe: {  	[smem:$0x3FB3] =	sst s6  }
0xf: {  	[smem:$0x3FB4] =	sst s7  }
0x10: {  	[smem:$0x3FB5] =	sst s8  }
0x11: {  	[smem:$0x3FB6] =	sst s9;
	s0 =	simm.s32 @!p0 $0x0  }
0x12: {  	s1 =	sld [smem:$0x3F9C];
	s0 =	simm.s32 @p0 $0x1  }
0x13: {  	[smem:$0x3FB7] =	sst s0;
	s0 =	simm.s32 @!p1 $0x0  }
0x14: {  	s2 =	sld [smem:$0x3F9B];
	s0 =	simm.s32 @p1 $0x1  }
0x15: {  	[smem:$0x3FB8] =	sst s0;
	s0 =	simm.s32 @!p2 $0x0  }
0x16: {  	s3 =	sld [smem:$0x3FDB];
	s0 =	simm.s32 @p2 $0x1  }
0x17: {  	s4 =	simm.s32 $0x1BF5;
	[smem:$0x3FBA] =	sst s0  }
0x18: {  	s0 =	sld [smem:$0x3F9D];
	_ =	swait.ge [sflag:s4], $0x0  }
0x19: {  	s7 =	sld [smem:$0x3F9E]  }
0x1a: {  	s8 =	sadd.s32 $0xFFFFE003, lr  }
0x1b: {  	s9 =	sadd.s32 $0xFFFFFEF7, lr;
	s5 =	simm.s32 $0xFFFFFFFF;
	p2 =	slt.u32 s8, $0xFFFFF086  }
0x1c: {  	p1 =	slt.u32 s9, $0xF7A;
	s5 =	simm.s32 @!p2 $0x0  }
0x1d: {  	s5 =	simm.s32 @p1 $0x1;
	p0 =	seq.s32 s7, s2  }
0x1e: {  	s7 =	smul.u32 @!p0 $0xF7A, s2;
	p2 =	seq.s32 @!p0 s5, $0x0  }
0x1f: {  	s9 =	smul.u32 $0xF7A, s1;
	s8 =	simm.s32 @!p0 $0x1BF5;
	p2 =	por !p2, p0  }
0x20: {  	[sflag:s8] =	ssyncset.s32 @!p0 $0xFFFFF086;
	s6 =	sadd.s32 @!p0 s3, s7;
	s7 =	simm.s32 @!p0 $0x108  }
0x21: {  	s3 =	sadd.s32 s3, s9;
	s6 =	sadd.s32 @!p0 $0x88, s6;
	s7 =	simm.s32 @p2 $0x1082  }
0x22: {  	[simem:s7], [sflag:s8] =	dma.local @!p0 [hbm:s6], $0xF7A  }
0x23: {  	s9 =	sor.u32 $0xD0000000, s2;
	s6 =	simm.s32 $0x108;
	_ =	swait.ge @!p0 [sflag:s8], $0x0  }
0x24: {  	s3 =	sadd.s32 $0x88, s3;
	s6 =	simm.s32 @!p1 $0x1082;
	[sflag:s4] =	ssyncset.s32 $0xFFFFF086  }
0x25: {  	[simem:s6], [sflag:s4] =	dma.local [hbm:s3], $0xF7A  }
0x26: {  	[smem:$0x3F9E] =	sst s1;
	(tag) =	ssettag s2;
	_ =	strace s9  }
0x27: {  	s1 =	sld [smem:$0x3FAE]  }
0x28: {  	s2 =	sld [smem:$0x3FAF]  }
0x29: {  	s4 =	sld [smem:$0x3FB1]  }
0x2a: {  	p0 =	seq.s32 s5, $0x0;
	s5 =	sld [smem:$0x3FB2]  }
0x2b: {  	s6 =	sld [smem:$0x3FB3]  }
0x2c: {  	s7 =	sld [smem:$0x3FB4]  }
0x2d: {  	s3 =	simm.s32 $0x108;
	s8 =	sld [smem:$0x3FB5]  }
0x2e: {  	s3 =	simm.s32 @!p0 $0x1082;
	s9 =	sld [smem:$0x3FB6]  }
0x2f: {  	lr =	sadd.s32 s0, s3;
	s0 =	sld [smem:$0x3FAD]  }
0x30: {  	s3 =	sld [smem:$0x3FB0]  }
0x31: {  	[smem:$0x3FB9] =	sst s10  }
0x32: {  	s10 =	sld [smem:$0x3FB7];
	_ =	sdelay $0x3  }
0x33: {  	p0 =	seq.s32 s10, $0x1;
	s10 =	sld [smem:$0x3FB9];
	_ =	sdelay $0x3  }
0x34: {  	[smem:$0x3FB9] =	sst s10  }
0x35: {  	s10 =	sld [smem:$0x3FB8];
	_ =	sdelay $0x3  }
0x36: {  	p1 =	seq.s32 s10, $0x1;
	s10 =	sld [smem:$0x3FB9];
	_ =	sdelay $0x3  }
0x37: {  	[smem:$0x3FB9] =	sst s10  }
0x38: {  	s10 =	sld [smem:$0x3FBA]  }
0x39: {  	_ = 	snop;
	(pc) =	sbr.ind lr, $3  }
0x3a: {  	_ = 	snop  }
0x3b: {  	_ = 	snop  }
0x3c: {  	p2 =	seq.s32 s10, $0x1;
	s10 =	sld [smem:$0x3FB9]  }
0x3d: {  	_ =	shalt  }
0x3e: {  	_ =	shalt  }
0x3f: {  	_ =	shalt  }
0x40: {  	_ =	shalt  }
0x41: {  	_ =	shalt  }
0x42: {  	_ =	shalt  }
0x43: {  	_ =	shalt  }
0x44: {  	_ =	shalt  }
0x45: {  	_ =	shalt  }
0x46: {  	_ =	shalt  }
0x47: {  	_ =	shalt  }
0x48: {  	_ =	shalt  }
0x49: {  	_ =	shalt  }
0x4a: {  	_ =	shalt  }
0x4b: {  	_ =	shalt  }
0x4c: {  	_ =	shalt  }
0x4d: {  	_ =	shalt  }
0x4e: {  	_ =	shalt  }
0x4f: {  	_ =	shalt  }
0x50: {  	_ =	shalt  }
0x51: {  	_ =	shalt  }
0x52: {  	_ =	shalt  }
0x53: {  	_ =	shalt  }
0x54: {  	_ =	shalt  }
0x55: {  	_ =	shalt  }
0x56: {  	_ =	shalt  }
0x57: {  	_ =	shalt  }
0x58: {  	_ =	shalt  }
0x59: {  	_ =	shalt  }
0x5a: {  	_ =	shalt  }
0x5b: {  	_ =	shalt  }
0x5c: {  	_ =	shalt  }
0x5d: {  	_ =	shalt  }
0x5e: {  	_ =	shalt  }
0x5f: {  	_ =	shalt  }
0x60: {  	_ =	shalt  }
0x61: {  	_ =	shalt  }
0x62: {  	_ =	shalt  }
0x63: {  	_ =	shalt  }
0x64: {  	_ =	shalt  }
0x65: {  	_ =	shalt  }
0x66: {  	_ =	shalt  }
0x67: {  	_ =	shalt  }
0x68: {  	_ =	shalt  }
0x69: {  	_ =	shalt  }
0x6a: {  	_ =	shalt  }
0x6b: {  	_ =	shalt  }
0x6c: {  	_ =	shalt  }
0x6d: {  	_ =	shalt  }
0x6e: {  	_ =	shalt  }
0x6f: {  	_ =	shalt  }
0x70: {  	_ =	shalt  }
0x71: {  	_ =	shalt  }
0x72: {  	_ =	shalt  }
0x73: {  	_ =	shalt  }
0x74: {  	_ =	shalt  }
0x75: {  	_ =	shalt  }
0x76: {  	_ =	shalt  }
0x77: {  	_ =	shalt  }
0x78: {  	_ =	shalt  }
0x79: {  	_ =	shalt  }
0x7a: {  	_ =	shalt  }
0x7b: {  	_ =	shalt  }
0x7c: {  	_ =	shalt  }
0x7d: {  	_ =	shalt  }
0x7e: {  	_ =	shalt  }
0x7f: {  	_ =	shalt  }
0x80: {  	_ =	shalt  }
0x81: {  	_ =	shalt  }
0x82: {  	_ =	shalt  }
0x83: {  	_ =	shalt  }
0x84: {  	_ =	shalt  }
0x85: {  	_ =	shalt  }
0x86: {  	_ =	shalt  }
0x87: {  	_ =	shalt  }
.Lfunc_end0:
.L_simem_size_0:
called_computation_lowered:
.L_overlay_start_0:
0x88: {  	s2 =	sld [smem:$0x3FD9]  }
0x89: {  	s3 =	sld [smem:$0x3FFE];
	_ =	sdelay $0x1  }
0x8a: {  	s1 =	srdreg.scid  }
0x8b: {  	s0 =	sand.u32 $0x1, s1  }
0x8c: {  	s14 =	sshll.u32 s0, $0xA;
	s2 =	sadd.s32 s3, s2  }
0x8d: {  	s2 =	sadd.s32 s2, s14  }
0x8e: {  	[smem:$0x3FC5] =	sst s2  }
0x8f: {  	_ = 	snop  }
0x90: {  	s2 =	sld [smem:$0x3FD0];
	_ =	sdelay $0x2  }
0x91: {  	s15 =	simm.s32 $0xA;
	s4 =	simm.s32 $0x10  }
0x92: {  	[smem:s4], [sflag:s15] =	dma.local [hbm:s2], $0x1  }
0x93: {  	_ =	swait.eq [sflag:s15], $0x1  }
0x94: {  	[sflag:s15] =	ssyncset.done $0x0  }
0x95: {  	[sflag:s15] =	ssyncadd.s32 $0xFFFFFFFF  }
0x96: {  	s16 =	sld [smem:$0x11];
	(tm) =	ssettm $0x1  }
0x97: {  	s17 =	sld [smem:$0x3FFB];
	_ =	sdelay $0x3  }
0x98: {  	_ =	strace s17  }
0x99: {  	s3 =	sld [smem:$0x3FFC];
	_ =	sdelay $0x3  }
0x9a: {  	_ =	strace s3  }
0x9b: {  	s3 =	sld [smem:$0x3FFD];
	_ =	sdelay $0x3  }
0x9c: {  	_ =	strace s3  }
0x9d: {  	_ =	strace $0x8FFFFFFF  }
0x9e: {  	s18 =	sld [smem:$0x3FDB];
	_ =	sdelay $0x1  }
0x9f: {  	s19 =	simm.s32 $_scs_section_size  }
0xa0: {  	s5 =	simm.s32 $_size__tile_overlayer_lowered;
	s6 =	simm.s32 $_tile_overlayer_lowered  }
0xa1: {  	s22 =	simm.s32 $0x1BFF;
	s21 =	sshll.u32 s6, $0x1;
	s3 =	sadd.s32 s19, s18  }
0xa2: {  	s7 =	simm.s32 $0x0;
	s20 =	sshll.u32 s5, $0x1;
	s5 =	sadd.s32 s21, s3  }
0xa3: {  	[timem:s7], [sflag:s22] =	dma.local [hbm:s5], s20  }
0xa4: {  	_ =	swait.ge [sflag:s22], s20  }
0xa5: {  	s4 =	ssub.s32 $0x0, s20;
	[sflag:s22] =	ssyncset.done $0x0  }
0xa6: {  	[sflag:s22] =	ssyncadd.s32 s4;
	_ =	sdelay $0x1  }
0xa7: {  	s23 =	simm.s32 $0x1B8B  }
0xa8: {  	_ =	swait.ge [sflag:s23], $0x1  }
0xa9: {  	[sflag:s23] =	ssyncset.done $0x0  }
0xaa: {  	s25 =	simm.s32 $0x1B8E;
	s24 =	sld [smem:$0x3FFE];
	[sflag:s23] =	ssyncadd.s32 $0xFFFFFFFF  }
0xab: {  	s26 =	simm.s32 $execute0_lowered;
	[smem:$0x3FD2] =	sst s25  }
0xac: {  	s5 =	sshll.u32 s26, $0x1;
	_ =	strace $0x80000046;
	[dreg:$0x1] =	wrdreg $0xFFFFFFFF  }
0xad: {  	s28 =	simm.s32 $_size_execute0_lowered;
	s3 =	sadd.s32 s3, s5;
	[dreg:$0x0] =	wrdreg $0x0  }
0xae: {  	s5 =	sshll.u32 s28, $0x1;
	[dreg:$0x2] =	wrdreg s3  }
0xaf: {  	[dreg:$0x3] =	wrdreg s5  }
0xb0: {  	[dreg:$0x4] =	wrdreg $0xC0  }
0xb1: {  	_ =	task [dreg:s7], $0x5FFFF  }
0xb2: {  	[dreg:$0x1] =	wrdreg $0xFFFFFFFF  }
0xb3: {  	[dreg:$0x0] =	wrdreg $0x60  }
0xb4: {  	[dreg:$0x2] =	wrdreg s24  }
0xb5: {  	[dreg:$0x3] =	wrdreg s16  }
0xb6: {  	[dreg:$0x4] =	wrdreg $0x9  }
0xb7: {  	_ =	task.clear_ibuf [dreg:s7], $0x5FFFF;
	_ =	strace $0x90000046  }
0xb8: {  	s29 =	simm.s32 $0x9;
	_ =	strace $0x80000048  }
0xb9: {  	_ =	swait.ge [sflag:s29], $0x1  }
0xba: {  	[sflag:s29] =	ssyncadd.s32 $0xFFFFFFFF  }
0xbb: {  	_ =	strace $0x90000048  }
0xbc: {  	_ =	sfence  }
0xbd: {  	s30 =	sld [smem:$0x0];
	_ =	sdelay $0x2  }
0xbe: {  	s31 =	sshll.u32 s1, $0xD;
	s1 =	sshrl.u32 s1, $0x2  }
0xbf: {  	s3 =	sand.u32 $0x4000, s31;
	s1 =	sadd.s32 s1, s30  }
0xc0: {  	s0 =	sor.u32 s3, s0;
	s1 =	sshll.u32 s1, $0x11  }
0xc1: {  	s0 =	sor.u32 s1, s0  }
0xc2: {  	s0 =	sadd.s32 $0x8F2B, s0  }
0xc3: {  	[sflag:s0] =	ssyncadd.remote.s32 $0x1  }
0xc4: {  	_ =	sfence.sel $0xFFFF  }
0xc5: {  	[dreg:$0x0] =	wrdreg $0xFFFFFFFF;
	(pc) =	sbr.abs _section_cstart, $3  }
0xc6: {  	[dreg:$0x1] =	wrdreg $0xFFFFFFFF  }
0xc7: {  	_ =	task.clear_ibuf [dreg:s7], $0x2FFFF;
	_ =	strace $0x9FFFFFFF  }
0xc8: {  	(tm) =	ssettm $0x7FFFFFFF  }
0xc9: {  	_ =	shalt  }
tec
execute0_lowered:
.L_overlay_start_1:
0x0: {  	(tag) =	ssettag $0x1  }
0x1: {  	s3 =	rddreg [dreg:$0x0]  }
0x2: {  	s5 =	rddreg [dreg:$0x1];
	s1 =	simm.s32 $0x0  }
0x3: {  	s2 =	srdreg.scid;
	v0 =	vimm.f32 $0.0e+00;
	[smem:$0x7FF] =	sst s1  }
0x4: {  	s0 =	rddreg [dreg:$0x2];
	s6 =	sand.u32 $0x1, s2;
	_ =	strace $0x80000047;
	[tilespmem:$0x100] =	vst v0  }
0x5: {  	v1 =	vimm.s32 $0x0;
	s2 =	stileid.u32;
	s4 =	sshll.u32 s6, $0x6;
	[tilespmem:$0x0] =	vst v0;
	s7 =	ssub.s32 $0x2, s6  }
0x6: {  	s30 =	sshll.u32 s2, $0x7;
	[tilespmem:$0x200] =	vst v1;
	s3 =	sadd.s32 s4, s3;
	s8 =	sshrl.u32 s7, $0x1  }
0x7: {  	[tilespmem:$0x180] =	vst v0;
	s3 =	sadd.s32 s30, s3;
	s7 =	ssub.s32 s7, s8  }
0x8: {  	[tilespmem:$0x80] =	vst v0;
	s4 =	sadd.s32 $0x1600, s3;
	s3 =	simm.s32 $0x1;
	s7 =	smax.u32 s7, $0x1  }
0x9: {  	[hbm4b:s4+s1] =	stream.linear.scatter [tilespmem:s1], [sflag:$0x1], $0x200, $0x38;
	[tilespmem:$0x280] =	vst v63  }
0xa: {  	s5 =	sadd.s32 s5, s6;
	p0 =	sne.s32 s7, $0x1;
	_ =	swait.ge [sflag:s3], $0x200  }
.Ltmp0:
0xb: {  	s31 =	sshll.u32 s2, $0x1;
	[sflag:s3] =	ssyncset.done $0x0;
	(pc) =	sbr.rel @!p0 .LBB2_2-.Ltmp0, $4  }
0xc: {  	s6 =	simm.s32 $0x200;
	s5 =	sadd.s32 s31, s5;
	[sflag:s3] =	ssyncadd.s32 $0xFFFFFE00  }
0xd: {  	[hbm4b:s5+s1] =	stream.linear.scatter [tilespmem:s6], [sflag:$0x1], $0x8, $0x38;
	[tilespmem:$0x280] =	vst v63  }
0xe: {  	_ =	swait.ge [sflag:s3], $0x8  }
0xf: {  	s7 =	sadd.s32 $0xFFFFFFFF, s7;
	[sflag:s3] =	ssyncset.done $0x0  }
.LBB2_1:
0x10: {  	p0 =	sne.s32 s7, $0x1;
	s7 =	sadd.s32 $0xFFFFFFFF, s7;
	[sflag:s3] =	ssyncadd.s32 $0xFFFFFFF8  }
0x11: {  	[tilespmem:$0x100] =	vst v0  }
0x12: {  	[tilespmem:$0x0] =	vst v0  }
0x13: {  	[tilespmem:$0x200] =	vst v1  }
0x14: {  	[tilespmem:$0x180] =	vst v0  }
0x15: {  	[tilespmem:$0x80] =	vst v0  }
0x16: {  	[hbm4b:s4+s1] =	stream.linear.scatter [tilespmem:s1], [sflag:$0x1], $0x200, $0x38;
	[tilespmem:$0x280] =	vst v63  }
0x17: {  	_ =	swait.ge [sflag:s3], $0x200  }
.Ltmp1:
0x18: {  	[sflag:s3] =	ssyncset.done $0x0;
	(pc) =	sbr.rel @p0 .LBB2_1-.Ltmp1, $4  }
0x19: {  	[sflag:s3] =	ssyncadd.s32 $0xFFFFFE00  }
0x1a: {  	[hbm4b:s5+s1] =	stream.linear.scatter [tilespmem:s6], [sflag:$0x1], $0x8, $0x38;
	[tilespmem:$0x280] =	vst v63  }
0x1b: {  	_ =	swait.ge [sflag:s3], $0x8  }
0x1c: {  	[sflag:s3] =	ssyncset.done $0x0  }
.LBB2_2:
0x1d: {  	[sflag:s3] =	ssyncadd.s32 $0xFFFFFFF8  }
0x1e: {  	_ =	sfence.sel $0x180000  }
0x1f: {  	[bflag:$0x0] =	sbarrier.arrive $0xFFFF  }
0x20: {  	p0 =	sne.s32 s2, $0x0;
	_ =	strace $0x90000047  }
0x21: {  	s0 =	sadd.s32 @!p0 $0x100000, s0;
	[bflag:$0x2] =	sbarrier.arrive $0xFFFF  }
0x22: {  	[sflag:s0] =	ssyncadd.tile.s32 @!p0 $0x1;
	_ =	shalt  }
.Lfunc_end2:
_tile_overlayer_lowered:
.L_overlay_start_2:
0x23: {  	(tag) =	ssettag $0x2  }
0x24: {  	s0 =	rddreg [dreg:$0x0];
	s2 =	stileid.u32  }
0x25: {  	s1 =	rddreg [dreg:$0x1];
	p0 =	sne.s32 s2, $0x0  }
0x26: {  	s3 =	rddreg [dreg:$0x2];
	[bflag:$0x3] =	sbarrier.arrive $0xFFFF;
	s2 =	simm.s32 @!p0 $0x1C01  }
0x27: {  	[timem:s3], [sflag:s2] =	dma.local @!p0 [hbm:s0], s1  }
0x28: {  	s0 =	simm.s32 @!p0 $0x1  }
0x29: {  	_ =	swait.ge @!p0 [sflag:s0], s1  }
0x2a: {  	s1 =	ssub.s32 @!p0 $0x0, s1;
	[sflag:s0] =	ssyncset.done @!p0 $0x0  }
0x2b: {  	[sflag:s0] =	ssyncadd.s32 @!p0 s1  }
0x2c: {  	[bflag:$0x3] =	sbarrier.arrive $0xFFFF  }
0x2d: {  	_ =	shalt  }

</sc_bundles>
